<compile_context>
chip_gen: v7x
topology: tpu7x:2x2x1
jax: 0.10.2.dev20260603
libtpu: 0.0.44.dev20260713+nightly
codegen_flags: <defaults>
</compile_context>

<pallas_src>
import jax
import jax.numpy as jnp
from jax import lax
from jax.experimental import pallas as pl

EPS = 1e-11

ROWS = 128
COLS = 100000
PACK = 4
SUB = (PACK * COLS) // 128
NEG_INF = -3.0e38


def _gumbel_softmax_kernel(x_ref, u_ref, o_ref):
    x = x_ref[0]
    u = u_ref[0]
    g = -jnp.log(-jnp.log(u + EPS))
    y = x + g

    flat = (
        lax.broadcasted_iota(jnp.int32, (SUB, 128), 0) * 128
        + lax.broadcasted_iota(jnp.int32, (SUB, 128), 1)
    )
    b = [r * COLS for r in range(1, PACK)]
    masks = []
    lo = None
    for r in range(PACK):
        if r == 0:
            m = flat < b[0]
        elif r == PACK - 1:
            m = flat >= b[-1]
        else:
            m = (flat >= b[r - 1]) & (flat < b[r])
        masks.append(m)

    mx = [jnp.max(jnp.where(masks[r], y, NEG_INF)) for r in range(PACK)]
    m_sel = jnp.where(
        flat < b[0], mx[0],
        jnp.where(flat < b[1], mx[1], jnp.where(flat < b[2], mx[2], mx[3])),
    )
    e = jnp.exp(y - m_sel)
    s = [jnp.sum(jnp.where(masks[r], e, 0.0)) for r in range(PACK)]
    inv = [1.0 / v for v in s]
    inv_sel = jnp.where(
        flat < b[0], inv[0],
        jnp.where(flat < b[1], inv[1], jnp.where(flat < b[2], inv[2], inv[3])),
    )
    o_ref[0] = e * inv_sel


def kernel(logits, u):
    xv = logits.reshape(ROWS // PACK, SUB, 128)
    uv = u.reshape(ROWS // PACK, SUB, 128)
    grid = (ROWS // PACK,)
    spec = pl.BlockSpec((1, SUB, 128), lambda i: (i, 0, 0))
    out = pl.pallas_call(
        _gumbel_softmax_kernel,
        grid=grid,
        in_specs=[spec, spec],
        out_specs=spec,
        out_shape=jax.ShapeDtypeStruct((ROWS // PACK, SUB, 128), jnp.float32),
    )(xv, uv)
    return out.reshape(ROWS, COLS)

# --- scband reference (transcript-rebuilt; emitter-appended) ---
"""Pipeline reference for scband-gumbel-softmax-31653908971907 (READ-ONLY COPY).

The authoritative reference and input builder live on the scoring server;
editing this copy changes nothing except your own understanding.
"""

import jax, jax.numpy as jnp
import numpy as np

EPS = 1e-11
TEMPERATURE = 1.0


def setup_inputs(seed: int = 0) -> dict:
    key = jax.random.key(seed)
    k1, k2 = jax.random.split(key)
    logits = jax.random.normal(k1, (128, 100000), dtype=jnp.float32)
    # uniform noise used to build the Gumbel perturbation (torch.rand equivalent),
    # materialized here so the reference is deterministic
    u = jax.random.uniform(k2, (128, 100000), dtype=jnp.float32)
    return {"logits": logits, "u": u}


def reference(logits, u):
    # log_probs = F.log_softmax(logits, dim=-1)
    log_probs = jax.nn.log_softmax(logits, axis=-1)
    # gumbel_distribution: -log(-log(u + eps))
    g = -jnp.log(-jnp.log(u + EPS))
    y = log_probs + g
    # hard_sample defaults to False -> return soft sample
    y_soft = jax.nn.softmax(y / TEMPERATURE, axis=-1)
    return y_soft

if __name__ == "__main__":
    import jax
    _d = setup_inputs()
    print(jax.jit(kernel)(*tuple(_d.values())))

</pallas_src>

<mosaic_0001>
module attributes {stable_mosaic.version = 14 : i64} {
  func.func @_gumbel_softmax_kernel(%arg0: i32, %arg1: memref<1x3125x128xf32, #tpu.memory_space<vmem>>, %arg2: memref<1x3125x128xf32, #tpu.memory_space<vmem>>, %arg3: memref<1x3125x128xf32, #tpu.memory_space<vmem>>) attributes {dimension_semantics = [#tpu.dimension_semantics<arbitrary>], iteration_bounds = array<i64: 32>, scalar_prefetch = 0 : i64, scratch_operands = 0 : i64, tpu.core_type = #tpu.core_type<tc>, window_params = [{transform_indices = @transform_0, window_bounds = array<i64: 1, 3125, 128>}, {transform_indices = @transform_1, window_bounds = array<i64: 1, 3125, 128>}, {transform_indices = @transform_2, window_bounds = array<i64: 1, 3125, 128>}]} {
    %get3A = arith.constant 0 : index
    %get3A_0 = arith.constant 0 : index
    %get3A_1 = arith.constant 0 : index
    %get3A_2 = vector.load %arg1[%get3A, %get3A_0, %get3A_1] : memref<1x3125x128xf32, #tpu.memory_space<vmem>>, vector<1x3125x128xf32>
    %get3A_3 = vector.shape_cast %get3A_2 : vector<1x3125x128xf32> to vector<3125x128xf32>
    %get3A_4 = arith.constant 0 : index
    %get3A_5 = arith.constant 0 : index
    %get3A_6 = arith.constant 0 : index
    %get3A_7 = vector.load %arg2[%get3A_4, %get3A_5, %get3A_6] : memref<1x3125x128xf32, #tpu.memory_space<vmem>>, vector<1x3125x128xf32>
    %get3A_8 = vector.shape_cast %get3A_7 : vector<1x3125x128xf32> to vector<3125x128xf32>
    %add3A = arith.constant 9.99999996E-12 : f32
    %add3A_9 = vector.broadcast %add3A : f32 to vector<3125x128xf32>
    %add3A_10 = arith.addf %get3A_8, %add3A_9 : vector<3125x128xf32>
    %log3A = math.log %add3A_10 : vector<3125x128xf32>
    %neg3A = arith.constant 0.000000e+00 : f32
    %neg3A_11 = vector.broadcast %neg3A : f32 to vector<3125x128xf32>
    %neg3A_12 = arith.subf %neg3A_11, %log3A : vector<3125x128xf32>
    %log3A_13 = math.log %neg3A_12 : vector<3125x128xf32>
    %neg3A_14 = arith.constant 0.000000e+00 : f32
    %neg3A_15 = vector.broadcast %neg3A_14 : f32 to vector<3125x128xf32>
    %neg3A_16 = arith.subf %neg3A_15, %log3A_13 : vector<3125x128xf32>
    %add3A_17 = arith.addf %get3A_3, %neg3A_16 : vector<3125x128xf32>
    %iota3A = tpu.iota {dimensions = array<i32: 0>} : vector<3125x128xi32>
    %mul3A = arith.constant 128 : i32
    %mul3A_18 = vector.broadcast %mul3A : i32 to vector<3125x128xi32>
    %mul3A_19 = arith.muli %iota3A, %mul3A_18 : vector<3125x128xi32>
    %iota3A_20 = tpu.iota {dimensions = array<i32: 1>} : vector<3125x128xi32>
    %add3A_21 = arith.addi %mul3A_19, %iota3A_20 : vector<3125x128xi32>
    %lt3A = arith.constant 100000 : i32
    %lt3A_22 = vector.broadcast %lt3A : i32 to vector<3125x128xi32>
    %lt3A_23 = arith.cmpi slt, %add3A_21, %lt3A_22 : vector<3125x128xi32>
    %ge3A = arith.constant 100000 : i32
    %ge3A_24 = vector.broadcast %ge3A : i32 to vector<3125x128xi32>
    %ge3A_25 = arith.cmpi sge, %add3A_21, %ge3A_24 : vector<3125x128xi32>
    %lt3A_26 = arith.constant 200000 : i32
    %lt3A_27 = vector.broadcast %lt3A_26 : i32 to vector<3125x128xi32>
    %lt3A_28 = arith.cmpi slt, %add3A_21, %lt3A_27 : vector<3125x128xi32>
    %and3A = arith.andi %ge3A_25, %lt3A_28 : vector<3125x128xi1>
    %ge3A_29 = arith.constant 200000 : i32
    %ge3A_30 = vector.broadcast %ge3A_29 : i32 to vector<3125x128xi32>
    %ge3A_31 = arith.cmpi sge, %add3A_21, %ge3A_30 : vector<3125x128xi32>
    %lt3A_32 = arith.constant 300000 : i32
    %lt3A_33 = vector.broadcast %lt3A_32 : i32 to vector<3125x128xi32>
    %lt3A_34 = arith.cmpi slt, %add3A_21, %lt3A_33 : vector<3125x128xi32>
    %and3A_35 = arith.andi %ge3A_31, %lt3A_34 : vector<3125x128xi1>
    %ge3A_36 = arith.constant 300000 : i32
    %ge3A_37 = vector.broadcast %ge3A_36 : i32 to vector<3125x128xi32>
    %ge3A_38 = arith.cmpi sge, %add3A_21, %ge3A_37 : vector<3125x128xi32>
    %jit3A = arith.constant -3.000000e+38 : f32
    %broadcast_in_dim3A = vector.broadcast %jit3A : f32 to vector<3125x128xf32>
    %select_n3A = arith.select %lt3A_23, %add3A_17, %broadcast_in_dim3A : vector<3125x128xi1>, vector<3125x128xf32>
    %reduce_max3A = vector.shape_cast %select_n3A : vector<3125x128xf32> to vector<1x3125x128xf32>
    %reduce_max3A_39 = arith.constant dense<0xFF800000> : vector<1xf32>
    %reduce_max3A_40 = vector.multi_reduction <maximumf>, %reduce_max3A, %reduce_max3A_39 [1, 2] : vector<1x3125x128xf32> to vector<1xf32>
    %reduce_max3A_41 = vector.shape_cast %reduce_max3A_40 : vector<1xf32> to vector<1x1x1xf32>
    %reduce_max3A_42 = vector.extract %reduce_max3A_41[0, 0, 0] : f32 from vector<1x1x1xf32>
    %jit3A_43 = arith.constant -3.000000e+38 : f32
    %broadcast_in_dim3A_44 = vector.broadcast %jit3A_43 : f32 to vector<3125x128xf32>
    %select_n3A_45 = arith.select %and3A, %add3A_17, %broadcast_in_dim3A_44 : vector<3125x128xi1>, vector<3125x128xf32>
    %reduce_max3A_46 = vector.shape_cast %select_n3A_45 : vector<3125x128xf32> to vector<1x3125x128xf32>
    %reduce_max3A_47 = arith.constant dense<0xFF800000> : vector<1xf32>
    %reduce_max3A_48 = vector.multi_reduction <maximumf>, %reduce_max3A_46, %reduce_max3A_47 [1, 2] : vector<1x3125x128xf32> to vector<1xf32>
    %reduce_max3A_49 = vector.shape_cast %reduce_max3A_48 : vector<1xf32> to vector<1x1x1xf32>
    %reduce_max3A_50 = vector.extract %reduce_max3A_49[0, 0, 0] : f32 from vector<1x1x1xf32>
    %jit3A_51 = arith.constant -3.000000e+38 : f32
    %broadcast_in_dim3A_52 = vector.broadcast %jit3A_51 : f32 to vector<3125x128xf32>
    %select_n3A_53 = arith.select %and3A_35, %add3A_17, %broadcast_in_dim3A_52 : vector<3125x128xi1>, vector<3125x128xf32>
    %reduce_max3A_54 = vector.shape_cast %select_n3A_53 : vector<3125x128xf32> to vector<1x3125x128xf32>
    %reduce_max3A_55 = arith.constant dense<0xFF800000> : vector<1xf32>
    %reduce_max3A_56 = vector.multi_reduction <maximumf>, %reduce_max3A_54, %reduce_max3A_55 [1, 2] : vector<1x3125x128xf32> to vector<1xf32>
    %reduce_max3A_57 = vector.shape_cast %reduce_max3A_56 : vector<1xf32> to vector<1x1x1xf32>
    %reduce_max3A_58 = vector.extract %reduce_max3A_57[0, 0, 0] : f32 from vector<1x1x1xf32>
    %jit3A_59 = arith.constant -3.000000e+38 : f32
    %broadcast_in_dim3A_60 = vector.broadcast %jit3A_59 : f32 to vector<3125x128xf32>
    %select_n3A_61 = arith.select %ge3A_38, %add3A_17, %broadcast_in_dim3A_60 : vector<3125x128xi1>, vector<3125x128xf32>
    %reduce_max3A_62 = vector.shape_cast %select_n3A_61 : vector<3125x128xf32> to vector<1x3125x128xf32>
    %reduce_max3A_63 = arith.constant dense<0xFF800000> : vector<1xf32>
    %reduce_max3A_64 = vector.multi_reduction <maximumf>, %reduce_max3A_62, %reduce_max3A_63 [1, 2] : vector<1x3125x128xf32> to vector<1xf32>
    %reduce_max3A_65 = vector.shape_cast %reduce_max3A_64 : vector<1xf32> to vector<1x1x1xf32>
    %reduce_max3A_66 = vector.extract %reduce_max3A_65[0, 0, 0] : f32 from vector<1x1x1xf32>
    %lt3A_67 = arith.constant 100000 : i32
    %lt3A_68 = vector.broadcast %lt3A_67 : i32 to vector<3125x128xi32>
    %lt3A_69 = arith.cmpi slt, %add3A_21, %lt3A_68 : vector<3125x128xi32>
    %lt3A_70 = arith.constant 200000 : i32
    %lt3A_71 = vector.broadcast %lt3A_70 : i32 to vector<3125x128xi32>
    %lt3A_72 = arith.cmpi slt, %add3A_21, %lt3A_71 : vector<3125x128xi32>
    %lt3A_73 = arith.constant 300000 : i32
    %lt3A_74 = vector.broadcast %lt3A_73 : i32 to vector<3125x128xi32>
    %lt3A_75 = arith.cmpi slt, %add3A_21, %lt3A_74 : vector<3125x128xi32>
    %broadcast_in_dim3A_76 = vector.broadcast %reduce_max3A_58 : f32 to vector<3125x128xf32>
    %broadcast_in_dim3A_77 = vector.broadcast %reduce_max3A_66 : f32 to vector<3125x128xf32>
    %select_n3A_78 = arith.select %lt3A_75, %broadcast_in_dim3A_76, %broadcast_in_dim3A_77 : vector<3125x128xi1>, vector<3125x128xf32>
    %broadcast_in_dim3A_79 = vector.broadcast %reduce_max3A_50 : f32 to vector<3125x128xf32>
    %select_n3A_80 = arith.select %lt3A_72, %broadcast_in_dim3A_79, %select_n3A_78 : vector<3125x128xi1>, vector<3125x128xf32>
    %broadcast_in_dim3A_81 = vector.broadcast %reduce_max3A_42 : f32 to vector<3125x128xf32>
    %select_n3A_82 = arith.select %lt3A_69, %broadcast_in_dim3A_81, %select_n3A_80 : vector<3125x128xi1>, vector<3125x128xf32>
    %sub3A = arith.subf %add3A_17, %select_n3A_82 : vector<3125x128xf32>
    %exp3A = math.exp %sub3A : vector<3125x128xf32>
    %jit3A_83 = arith.constant 0.000000e+00 : f32
    %broadcast_in_dim3A_84 = vector.broadcast %jit3A_83 : f32 to vector<3125x128xf32>
    %select_n3A_85 = arith.select %lt3A_23, %exp3A, %broadcast_in_dim3A_84 : vector<3125x128xi1>, vector<3125x128xf32>
    %reduce_sum3A = vector.shape_cast %select_n3A_85 : vector<3125x128xf32> to vector<1x3125x128xf32>
    %reduce_sum3A_86 = arith.constant dense<0.000000e+00> : vector<1xf32>
    %reduce_sum3A_87 = vector.multi_reduction <add>, %reduce_sum3A, %reduce_sum3A_86 [1, 2] : vector<1x3125x128xf32> to vector<1xf32>
    %reduce_sum3A_88 = vector.shape_cast %reduce_sum3A_87 : vector<1xf32> to vector<1x1x1xf32>
    %reduce_sum3A_89 = vector.extract %reduce_sum3A_88[0, 0, 0] : f32 from vector<1x1x1xf32>
    %jit3A_90 = arith.constant 0.000000e+00 : f32
    %broadcast_in_dim3A_91 = vector.broadcast %jit3A_90 : f32 to vector<3125x128xf32>
    %select_n3A_92 = arith.select %and3A, %exp3A, %broadcast_in_dim3A_91 : vector<3125x128xi1>, vector<3125x128xf32>
    %reduce_sum3A_93 = vector.shape_cast %select_n3A_92 : vector<3125x128xf32> to vector<1x3125x128xf32>
    %reduce_sum3A_94 = arith.constant dense<0.000000e+00> : vector<1xf32>
    %reduce_sum3A_95 = vector.multi_reduction <add>, %reduce_sum3A_93, %reduce_sum3A_94 [1, 2] : vector<1x3125x128xf32> to vector<1xf32>
    %reduce_sum3A_96 = vector.shape_cast %reduce_sum3A_95 : vector<1xf32> to vector<1x1x1xf32>
    %reduce_sum3A_97 = vector.extract %reduce_sum3A_96[0, 0, 0] : f32 from vector<1x1x1xf32>
    %jit3A_98 = arith.constant 0.000000e+00 : f32
    %broadcast_in_dim3A_99 = vector.broadcast %jit3A_98 : f32 to vector<3125x128xf32>
    %select_n3A_100 = arith.select %and3A_35, %exp3A, %broadcast_in_dim3A_99 : vector<3125x128xi1>, vector<3125x128xf32>
    %reduce_sum3A_101 = vector.shape_cast %select_n3A_100 : vector<3125x128xf32> to vector<1x3125x128xf32>
    %reduce_sum3A_102 = arith.constant dense<0.000000e+00> : vector<1xf32>
    %reduce_sum3A_103 = vector.multi_reduction <add>, %reduce_sum3A_101, %reduce_sum3A_102 [1, 2] : vector<1x3125x128xf32> to vector<1xf32>
    %reduce_sum3A_104 = vector.shape_cast %reduce_sum3A_103 : vector<1xf32> to vector<1x1x1xf32>
    %reduce_sum3A_105 = vector.extract %reduce_sum3A_104[0, 0, 0] : f32 from vector<1x1x1xf32>
    %jit3A_106 = arith.constant 0.000000e+00 : f32
    %broadcast_in_dim3A_107 = vector.broadcast %jit3A_106 : f32 to vector<3125x128xf32>
    %select_n3A_108 = arith.select %ge3A_38, %exp3A, %broadcast_in_dim3A_107 : vector<3125x128xi1>, vector<3125x128xf32>
    %reduce_sum3A_109 = vector.shape_cast %select_n3A_108 : vector<3125x128xf32> to vector<1x3125x128xf32>
    %reduce_sum3A_110 = arith.constant dense<0.000000e+00> : vector<1xf32>
    %reduce_sum3A_111 = vector.multi_reduction <add>, %reduce_sum3A_109, %reduce_sum3A_110 [1, 2] : vector<1x3125x128xf32> to vector<1xf32>
    %reduce_sum3A_112 = vector.shape_cast %reduce_sum3A_111 : vector<1xf32> to vector<1x1x1xf32>
    %reduce_sum3A_113 = vector.extract %reduce_sum3A_112[0, 0, 0] : f32 from vector<1x1x1xf32>
    %div3A = arith.constant 1.000000e+00 : f32
    %div3A_114 = arith.divf %div3A, %reduce_sum3A_89 : f32
    %div3A_115 = arith.constant 1.000000e+00 : f32
    %div3A_116 = arith.divf %div3A_115, %reduce_sum3A_97 : f32
    %div3A_117 = arith.constant 1.000000e+00 : f32
    %div3A_118 = arith.divf %div3A_117, %reduce_sum3A_105 : f32
    %div3A_119 = arith.constant 1.000000e+00 : f32
    %div3A_120 = arith.divf %div3A_119, %reduce_sum3A_113 : f32
    %lt3A_121 = arith.constant 100000 : i32
    %lt3A_122 = vector.broadcast %lt3A_121 : i32 to vector<3125x128xi32>
    %lt3A_123 = arith.cmpi slt, %add3A_21, %lt3A_122 : vector<3125x128xi32>
    %lt3A_124 = arith.constant 200000 : i32
    %lt3A_125 = vector.broadcast %lt3A_124 : i32 to vector<3125x128xi32>
    %lt3A_126 = arith.cmpi slt, %add3A_21, %lt3A_125 : vector<3125x128xi32>
    %lt3A_127 = arith.constant 300000 : i32
    %lt3A_128 = vector.broadcast %lt3A_127 : i32 to vector<3125x128xi32>
    %lt3A_129 = arith.cmpi slt, %add3A_21, %lt3A_128 : vector<3125x128xi32>
    %broadcast_in_dim3A_130 = vector.broadcast %div3A_118 : f32 to vector<3125x128xf32>
    %broadcast_in_dim3A_131 = vector.broadcast %div3A_120 : f32 to vector<3125x128xf32>
    %select_n3A_132 = arith.select %lt3A_129, %broadcast_in_dim3A_130, %broadcast_in_dim3A_131 : vector<3125x128xi1>, vector<3125x128xf32>
    %broadcast_in_dim3A_133 = vector.broadcast %div3A_116 : f32 to vector<3125x128xf32>
    %select_n3A_134 = arith.select %lt3A_126, %broadcast_in_dim3A_133, %select_n3A_132 : vector<3125x128xi1>, vector<3125x128xf32>
    %broadcast_in_dim3A_135 = vector.broadcast %div3A_114 : f32 to vector<3125x128xf32>
    %select_n3A_136 = arith.select %lt3A_123, %broadcast_in_dim3A_135, %select_n3A_134 : vector<3125x128xi1>, vector<3125x128xf32>
    %mul3A_137 = arith.mulf %exp3A, %select_n3A_136 : vector<3125x128xf32>
    %swap3A = arith.constant 0 : index
    %swap3A_138 = arith.constant 0 : index
    %swap3A_139 = arith.constant 0 : index
    %swap3A_140 = vector.load %arg3[%swap3A, %swap3A_138, %swap3A_139] : memref<1x3125x128xf32, #tpu.memory_space<vmem>>, vector<1x3125x128xf32>
    %swap3A_141 = vector.shape_cast %swap3A_140 : vector<1x3125x128xf32> to vector<3125x128xf32>
    %swap3A_142 = vector.shape_cast %mul3A_137 : vector<3125x128xf32> to vector<1x3125x128xf32>
    tpu.vector_store %arg3[%swap3A, %swap3A_138, %swap3A_139], %swap3A_142 {strides = array<i32>} : memref<1x3125x128xf32, #tpu.memory_space<vmem>>, vector<1x3125x128xf32>,
    return
  }
  func.func @transform_0(%arg0: i32) -> (i32, i32, i32) {
    %c0_i32 = arith.constant 0 : i32
    %c0_i32_0 = arith.constant 0 : i32
    %c0_i32_1 = arith.constant 0 : i32
    return %arg0, %c0_i32, %c0_i32_0 : i32, i32, i32
  }
  func.func @transform_1(%arg0: i32) -> (i32, i32, i32) {
    %c0_i32 = arith.constant 0 : i32
    %c0_i32_0 = arith.constant 0 : i32
    %c0_i32_1 = arith.constant 0 : i32
    return %arg0, %c0_i32, %c0_i32_0 : i32, i32, i32
  }
  func.func @transform_2(%arg0: i32) -> (i32, i32, i32) {
    %c0_i32 = arith.constant 0 : i32
    %c0_i32_0 = arith.constant 0 : i32
    %c0_i32_1 = arith.constant 0 : i32
    return %arg0, %c0_i32, %c0_i32_0 : i32, i32, i32
  }
}

</mosaic_0001>

<sc_bundles>
// kernel: sparse-core-data-format-call.cloned.1.call-start
scs
called_computation_lowered:
.L_overlay_start_0:
0x0: {  	s2 =	sld [smem:$0x3FD9]  }
0x1: {  	s3 =	sld [smem:$0x3FFE];
	_ =	sdelay $0x1  }
0x2: {  	s1 =	srdreg.scid  }
0x3: {  	s0 =	sand.u32 $0x1, s1  }
0x4: {  	s18 =	sshll.u32 s0, $0xA;
	s2 =	sadd.s32 s3, s2  }
0x5: {  	s2 =	sadd.s32 s2, s18  }
0x6: {  	[smem:$0x3FC6] =	sst s2  }
0x7: {  	_ = 	snop  }
0x8: {  	s2 =	sld [smem:$0x3FD0];
	(tm) =	ssettm $0x1  }
0x9: {  	s19 =	sld [smem:$0x3FFB];
	_ =	sdelay $0x3  }
0xa: {  	_ =	strace s19  }
0xb: {  	s3 =	sld [smem:$0x3FFC];
	_ =	sdelay $0x3  }
0xc: {  	_ =	strace s3  }
0xd: {  	s3 =	sld [smem:$0x3FFD];
	_ =	sdelay $0x3  }
0xe: {  	_ =	strace s3  }
0xf: {  	_ =	strace $0x8FFFFFFF  }
0x10: {  	s20 =	sld [smem:$0x3FDB];
	_ =	sdelay $0x1  }
0x11: {  	s4 =	simm.s32 $_scs_section_size  }
0x12: {  	s5 =	simm.s32 $_size__tile_overlayer_lowered;
	s6 =	simm.s32 $_tile_overlayer_lowered  }
0x13: {  	s23 =	simm.s32 $0x1BFF;
	s22 =	sshll.u32 s6, $0x1;
	s3 =	sadd.s32 s4, s20  }
0x14: {  	s7 =	simm.s32 $0x0;
	s21 =	sshll.u32 s5, $0x1;
	s5 =	sadd.s32 s22, s3  }
0x15: {  	[timem:s7], [sflag:s23] =	dma.local [hbm:s5], s21  }
0x16: {  	_ =	swait.ge [sflag:s23], s21  }
0x17: {  	s4 =	ssub.s32 $0x0, s21;
	[sflag:s23] =	ssyncset.done $0x0  }
0x18: {  	[sflag:s23] =	ssyncadd.s32 s4;
	_ =	sdelay $0x1  }
0x19: {  	s24 =	simm.s32 $0x1B8B  }
0x1a: {  	_ =	swait.ge [sflag:s24], $0x1  }
0x1b: {  	[sflag:s24] =	ssyncset.done $0x0  }
0x1c: {  	s26 =	simm.s32 $0x1B8E;
	s25 =	sld [smem:$0x3FFE];
	[sflag:s24] =	ssyncadd.s32 $0xFFFFFFFF  }
0x1d: {  	s27 =	simm.s32 $execute0_lowered;
	[smem:$0x3FD2] =	sst s26  }
0x1e: {  	s5 =	sshll.u32 s27, $0x1;
	_ =	strace $0x80000046;
	[dreg:$0x1] =	wrdreg $0xFFFFFFFF  }
0x1f: {  	s28 =	simm.s32 $_size_execute0_lowered;
	s3 =	sadd.s32 s3, s5;
	[dreg:$0x0] =	wrdreg $0x0  }
0x20: {  	s5 =	sshll.u32 s28, $0x1;
	[dreg:$0x2] =	wrdreg s3  }
0x21: {  	[dreg:$0x3] =	wrdreg s5  }
0x22: {  	[dreg:$0x4] =	wrdreg $0xC0  }
0x23: {  	_ =	task [dreg:s7], $0x5FFFF  }
0x24: {  	[dreg:$0x1] =	wrdreg $0xFFFFFFFF  }
0x25: {  	[dreg:$0x0] =	wrdreg $0x60  }
0x26: {  	[dreg:$0x2] =	wrdreg s25  }
0x27: {  	[dreg:$0x3] =	wrdreg s2  }
0x28: {  	[dreg:$0x4] =	wrdreg $0x9  }
0x29: {  	_ =	task.clear_ibuf [dreg:s7], $0x5FFFF;
	_ =	strace $0x90000046  }
0x2a: {  	s29 =	simm.s32 $0x9;
	_ =	strace $0x80000048  }
0x2b: {  	_ =	swait.ge [sflag:s29], $0x1  }
0x2c: {  	[sflag:s29] =	ssyncadd.s32 $0xFFFFFFFF  }
0x2d: {  	_ =	strace $0x90000048  }
0x2e: {  	_ =	sfence  }
0x2f: {  	s30 =	sld [smem:$0x0];
	_ =	sdelay $0x2  }
0x30: {  	s31 =	sshll.u32 s1, $0xD;
	s1 =	sshrl.u32 s1, $0x2  }
0x31: {  	s3 =	sand.u32 $0x4000, s31;
	s1 =	sadd.s32 s1, s30  }
0x32: {  	s0 =	sor.u32 s3, s0;
	s1 =	sshll.u32 s1, $0x11  }
0x33: {  	s0 =	sor.u32 s1, s0  }
0x34: {  	s0 =	sadd.s32 $0x8F2B, s0  }
0x35: {  	[sflag:s0] =	ssyncadd.remote.s32 $0x1  }
0x36: {  	_ =	sfence.sel $0xFFFF  }
0x37: {  	[dreg:$0x0] =	wrdreg $0xFFFFFFFF;
	(pc) =	sbr.abs _section_cstart, $3  }
0x38: {  	[dreg:$0x1] =	wrdreg $0xFFFFFFFF  }
0x39: {  	_ =	task.clear_ibuf [dreg:s7], $0x2FFFF;
	_ =	strace $0x9FFFFFFF  }
0x3a: {  	(tm) =	ssettm $0x7FFFFFFF  }
0x3b: {  	_ =	shalt  }
tec
execute0_lowered:
.L_overlay_start_1:
0x0: {  	(tag) =	ssettag $0x1  }
0x1: {  	s4 =	rddreg [dreg:$0x0]  }
0x2: {  	s0 =	srdreg.scid;
	s2 =	rddreg [dreg:$0x1]  }
0x3: {  	s1 =	stileid.u32;
	s5 =	simm.s32 $0x1;
	s7 =	simm.s32 $0x2  }
0x4: {  	s14 =	simm.s32 $0x0;
	p0 =	por $0x0, $0x0;
	s0 =	sshll.u32 s0, $0x4  }
0x5: {  	s13 =	simm.s32 $0x0;
	s8 =	simm.s32 $0x0;
	s3 =	sand.u32 $0x10, s0  }
.Ltmp0:
0x6: {  	s9 =	simm.s32 $0x0;
	s3 =	sor.u32 s1, s3;
	(pc) =	sbr.rel .LBB1_1-.Ltmp0, $4  }
0x7: {  	s11 =	simm.s32 $0x0;
	s12 =	simm.s32 $0x0;
	s3 =	sshll.u32 s3, $0x7  }
0x8: {  	s0 =	rddreg [dreg:$0x2];
	_ =	strace $0x80000047;
	s6 =	ssub.s32 $0x18680, s3  }
0x9: {  	s4 =	sadd.s32 $0x187400, s4;
	[sflag:s5] =	ssyncpa.u1 $0x0;
	s6 =	sshrl.u32 s6, $0xC  }
0xa: {  	[sflag:s7] =	ssyncpa.u1 $0x0;
	s10 =	smov.u32 s3;
	s7 =	sadd.s32 $0x2, s6  }
.LBB1_5:
0xb: {  	p1 =	slt.u32 s12, $0x2  }
0xc: {  	p2 =	sgt.s32 @!p1 s14, $0x18620  }
0xd: {  	s15 =	smov.u32 s14;
	s16 =	sshra.s32 @!p1 s14, $0x1F;
	p2 =	por !p2, p1  }
0xe: {  	s14 =	sand.u32 @!p1 s16, s14;
	s15 =	simm.s32 @p2 $0x18620  }
0xf: {  	s14 =	ssub.s32 @!p1 s15, s14;
	s15 =	ssub.s32 @!p1 $0x0, s13  }
0x10: {  	s17 =	smov.u32 s11;
	s16 =	sadd.s32 @!p1 $0xFFFE79E0, s14;
	s13 =	smin.u32 @!p1 s13, s15  }
0x11: {  	s14 =	ssub.s32 @!p1 $0x186A0, s14;
	p2 =	sgt.s32 @!p1 s16, $0x7F;
	p3 =	sgt.s32 @!p1 s13, $0x7F  }
0x12: {  	s13 =	ssub.s32 @!p1 $0x80, s13;
	p2 =	por !p2, p1;
	p3 =	por !p3, p1  }
0x13: {  	s15 =	sadd.s32 $0x1000, s10;
	s14 =	simm.s32 @!p2 $0x0;
	s13 =	simm.s32 @!p3 $0x0  }
0x14: {  	p2 =	sgt.s32 s15, $0x1869F;
	s13 =	smul.u32 @!p1 s13, s14;
	s14 =	sadd.s32 $0x80, s11  }
0x15: {  	s17 =	smov.u32 @p2 s14  }
0x16: {  	s15 =	smov.u32 @p2 s3;
	p2 =	sgt.s32 s17, $0x7F  }
0x17: {  	s17 =	simm.s32 @p2 $0x0;
	p2 =	sne.s32 s12, s7  }
.Ltmp1:
0x18: {  	p0 =	por !p0, !p0;
	s16 =	simm.s32 @!p1 $0x2;
	(pc) =	sbr.rel @!p2 .LBB1_6-.Ltmp1, $4  }
0x19: {  	s14 =	smov.u32 s8;
	s8 =	smov.u32 s10;
	s13 =	sand.u32 @!p1 $0x3FFFFFFF, s13  }
0x1a: {  	s10 =	smov.u32 s15;
	_ =	swait.ge @!p1 [sflag:s16], s13;
	s18 =	ssub.s32 @!p1 $0x0, s13  }
0x1b: {  	s13 =	smov.u32 s9;
	s12 =	sadd.s32 $0x1, s12;
	[sflag:s16] =	ssyncset.done @!p1 $0x0  }
0x1c: {  	s9 =	smov.u32 s11;
	s11 =	smov.u32 s17;
	[sflag:s16] =	ssyncadd.s32 @!p1 s18  }
.LBB1_1:
0x1d: {  	p1 =	sgt.u32 s12, s6  }
0x1e: {  	s15 =	sshrl.u32 @!p1 s11, $0x3  }
0x1f: {  	s16 =	sshll.u32 @!p1 s10, $0x3;
	s15 =	smul.u32 @!p1 $0xC3800, s15  }
0x20: {  	s17 =	sshll.u32 @!p1 s11, $0x7;
	s16 =	sand.u32 @!p1 $0xFFFFFC00, s16  }
0x21: {  	s15 =	sadd.s32 @!p1 s15, s16;
	s16 =	sand.u32 @!p1 $0x380, s17  }
0x22: {  	s17 =	sand.u32 @!p1 $0x7F, s10;
	s15 =	sor.u32 @!p1 s16, s15  }
0x23: {  	s16 =	sor.u32 @!p1 s17, s15  }
0x24: {  	s17 =	smulhi.u32 @!p1 $0xA79C7B17, s16;
	_ =	sdelay $0x1  }
0x25: {  	s15 =	smulhi.u32 @!p1 $0xA79C7B17, s15;
	s17 =	sshrl.u32 @!p1 s17, $0x10  }
0x26: {  	s17 =	smul.u32 @!p1 $0x18700, s17  }
0x27: {  	s18 =	sxor.u32 @!p1 $0xFFFFFFFF, s12;
	s15 =	sshrl.u32 @!p1 s15, $0x10  }
0x28: {  	s18 =	sshll.u32 @!p1 s18, $0xE;
	s15 =	sand.u32 @!p1 $0x7F, s15;
	s16 =	ssub.s32 @!p1 s16, s17  }
0x29: {  	s15 =	smul.u32 @!p1 $0x30E0, s15;
	s17 =	sshrl.u32 @!p1 s16, $0x3;
	s16 =	sand.u32 @!p1 $0x7, s16  }
0x2a: {  	s18 =	sand.u32 @!p1 $0x4000, s18;
	s17 =	sadd.s32 @!p1 s4, s17;
	s16 =	sshll.u32 @!p1 s16, $0x12  }
0x2b: {  	s15 =	sadd.s32 @!p1 s15, s17;
	s16 =	sor.u32 @!p1 $0x400, s16;
	s17 =	simm.s32 @!p1 $0xC3800  }
0x2c: {  	[tilespmem:s18], [sflag:$0x1] =	stream.strided.gather @!p1 [hbm4b:s15+s16], $0x4000, s17, s16, $0x38;
	[tilespmem:$0x10100] =	vst v63  }
0x2d: {  	p1 =	seq.s32 s12, $0x0  }
0x2e: {  	p2 =	sge.u32 @!p1 s12, s7  }
0x2f: {  	p1 =	por p1, p2  }
.Ltmp2:
0x30: {  	_ = 	snop;
	(pc) =	sbr.rel @p1 .LBB1_5-.Ltmp2, $1  }
0x31: {  	_ =	sdelay $0x3  }
0x32: {  	s15 =	simm.s32 $0x1  }
0x33: {  	_ =	swait.ge [sflag:s5], $0x4000;
	s15 =	simm.s32 @!p0 $0x0  }
0x34: {  	[sflag:s5] =	ssyncset.done $0x0;
	s16 =	sshll.u32 s15, $0xE  }
0x35: {  	[sflag:s5] =	ssyncadd.s32 $0xFFFFC000;
	s16 =	sor.u32 $0x40, s16  }
0x36: {  	s15 =	smul.u32 $0x10200, s15;
	v0 =	vld [tilespmem:s16+$0x30]  }
0x37: {  	v1 =	vld [tilespmem:s16+$0xFFFFFFD0]  }
0x38: {  	s15 =	sshrl.u32 s15, $0x2;
	v5 =	vld [tilespmem:s16+$0xFFFFFFE0]  }
0x39: {  	v6 =	vld [tilespmem:s16+$0xFFFFFFF0];
	s18 =	sor.u32 $0x8000, s15  }
0x3a: {  	s31 =	sand.u32 $0x1, s12;
	v4 =	vld [tilespmem:s16+$0x0];
	s17 =	sadd.s32 $0x0, s18  }
0x3b: {  	v3 =	vld [tilespmem:s16+$0x10];
	s15 =	smul.u32 $0x10200, s31;
	[tilespmem:s17+$0x3870 ss:$0x81] =	vst.msk $0xffff, v0  }
0x3c: {  	v2 =	vld [tilespmem:s16+$0x20];
	[tilespmem:s17+$0x810 ss:$0x81] =	vst.msk $0xffff, v1  }
0x3d: {  	s15 =	sshrl.u32 s15, $0x2;
	v0 =	vld [tilespmem:s16+$0xFFFFFFC0];
	[tilespmem:s17+$0x1020 ss:$0x81] =	vst.msk $0xffff, v5;
	s16 =	sadd.s32 $0x80, s16  }
0x3e: {  	s19 =	simm.s32 $0x4;
	s20 =	simm.s32 $0x8;
	s15 =	sor.u32 $0x8000, s15;
	[tilespmem:s17+$0x1830 ss:$0x81] =	vst.msk $0xffff, v6;
	v1 =	vld [tilespmem:s16+$0x30]  }
.LBB1_3:
0x3f: {  	p1 =	sne.s32 s20, $0x1FC;
	v5 =	vld [tilespmem:s16+$0xFFFFFFD0];
	[tilespmem:s17+$0x2040 ss:$0x81] =	vst.msk $0xffff, v4  }
0x40: {  	v6 =	vld [tilespmem:s16+$0xFFFFFFE0];
	[tilespmem:s17+$0x2850 ss:$0x81] =	vst.msk $0xffff, v3  }
0x41: {  	s21 =	sshra.s32 s19, $0x2;
	s19 =	smov.u32 s20;
	v7 =	vld [tilespmem:s16+$0xFFFFFFF0];
	[tilespmem:s17+$0x3060 ss:$0x81] =	vst.msk $0xffff, v2  }
.Ltmp3:
0x42: {  	v4 =	vld [tilespmem:s16+$0x0];
	[tilespmem:s17+$0x0 ss:$0x81] =	vst.msk $0xffff, v0;
	s17 =	sadd.s32 s21, s18;
	(pc) =	sbr.rel @p1 .LBB1_3-.Ltmp3, $4  }
0x43: {  	v3 =	vld [tilespmem:s16+$0x10];
	[tilespmem:s17+$0x3870 ss:$0x81] =	vst.msk $0xffff, v1  }
0x44: {  	[tilespmem:s17+$0x810 ss:$0x81] =	vst.msk $0xffff, v5;
	v2 =	vld [tilespmem:s16+$0x20]  }
0x45: {  	v0 =	vld [tilespmem:s16+$0xFFFFFFC0];
	[tilespmem:s17+$0x1020 ss:$0x81] =	vst.msk $0xffff, v6;
	s16 =	sadd.s32 $0x80, s16  }
0x46: {  	s20 =	sadd.s32 $0x4, s20;
	v1 =	vld [tilespmem:s16+$0x30];
	[tilespmem:s17+$0x1830 ss:$0x81] =	vst.msk $0xffff, v7  }
0x47: {  	s20 =	sshll.u32 s8, $0x7;
	s21 =	sshll.u32 s9, $0x3;
	s19 =	sshra.s32 s19, $0x2  }
0x48: {  	v5 =	vld [tilespmem:s16+$0xFFFFFFD0];
	[tilespmem:s17+$0x2040 ss:$0x81] =	vst.msk $0xffff, v4;
	p1 =	sgt.s32 s8, $0x18620;
	s22 =	sand.u32 $0xFFFFFC00, s20;
	s21 =	sand.u32 $0xFFFFFC00, s21  }
0x49: {  	v58 =	vld [tilespmem:s16+$0xFFFFFFE0];
	s24 =	sshra.s32 s8, $0x1F;
	s20 =	sand.u32 $0x380, s20;
	[tilespmem:s17+$0x2850 ss:$0x81] =	vst.msk $0xffff, v3;
	s21 =	sadd.s32 s21, s22  }
0x4a: {  	v59 =	vld [tilespmem:s16+$0xFFFFFFF0];
	s26 =	ssub.s32 $0x0, s9;
	s18 =	sadd.s32 s19, s18;
	[tilespmem:s17+$0x3060 ss:$0x81] =	vst.msk $0xffff, v2;
	s23 =	sor.u32 s20, s21  }
0x4b: {  	v60 =	vld [tilespmem:s16+$0x0];
	s28 =	smin.u32 s9, s26;
	s20 =	smov.u32 s8;
	[tilespmem:s17+$0x0 ss:$0x81] =	vst.msk $0xffff, v0;
	s19 =	sshrl.u32 s23, $0x7  }
0x4c: {  	v61 =	vld [tilespmem:s16+$0x10];
	s21 =	sand.u32 s24, s8;
	s20 =	simm.s32 @!p1 $0x18620;
	[tilespmem:s18+$0x3870 ss:$0x81] =	vst.msk $0xffff, v1;
	s25 =	smulhi.u32 $0x14F8B59, s19  }
0x4d: {  	v62 =	vld [tilespmem:s16+$0x20];
	s29 =	sshrl.u32 s9, $0x3;
	p2 =	sgt.s32 s28, $0x7F;
	s20 =	ssub.s32 s20, s21;
	[tilespmem:s18+$0x810 ss:$0x81] =	vst.msk $0xffff, v5  }
0x4e: {  	v63 =	vld [tilespmem:s16+$0xFFFFFFC0];
	[tilespmem:s18+$0x1020 ss:$0x81] =	vst.msk $0xffff, v58;
	s21 =	sadd.s32 $0xFFFE79E0, s20;
	s20 =	ssub.s32 $0x186A0, s20;
	s17 =	sshrl.u32 s25, $0x9  }
0x4f: {  	[tilespmem:s18+$0x1830 ss:$0x81] =	vst.msk $0xffff, v59;
	p1 =	sgt.s32 s21, $0x7F;
	s27 =	smul.u32 $0x186A0, s17;
	s17 =	ssub.s32 $0x80, s28  }
.Ltmp4:
0x50: {  	[tilespmem:s18+$0x2040 ss:$0x81] =	vst.msk $0xffff, v60;
	s20 =	simm.s32 @p1 $0x0;
	s17 =	simm.s32 @p2 $0x0;
	(pc) =	sbr.rel .LBB1_5-.Ltmp4, $4  }
0x51: {  	s30 =	sand.u32 $0xF, s29;
	[tilespmem:s18+$0x2850 ss:$0x81] =	vst.msk $0xffff, v61;
	s16 =	ssub.s32 s19, s27;
	s17 =	smul.u32 s17, s20  }
0x52: {  	[tilespmem:s18+$0x3060 ss:$0x81] =	vst.msk $0xffff, v62;
	s19 =	sadd.s32 s2, s30;
	s16 =	sshll.u32 s16, $0x4  }
0x53: {  	s31 =	sand.u32 $0x7, s9;
	[tilespmem:s18+$0x0 ss:$0x81] =	vst.msk $0xffff, v63;
	s17 =	sand.u32 $0x3FFFFFFF, s17;
	s16 =	sadd.s32 s16, s19  }
0x54: {  	[hbm4b:s16+s31] =	stream.linear.scatter [tilespmem:s15], [sflag:$0x2], s17, $0x20;
	[tilespmem:$0x10100] =	vst v63  }
.LBB1_6:
0x55: {  	_ =	sfence.sel $0x180000  }
0x56: {  	s2 =	simm.s32 $0x1;
	[bflag:$0x0] =	sbarrier.arrive $0xFFFF  }
0x57: {  	s31 =	simm.s32 $0x2;
	[sflag:s2] =	ssyncpa.u1 $0x1  }
0x58: {  	[sflag:s31] =	ssyncpa.u1 $0x1  }
0x59: {  	p0 =	sne.s32 s1, $0x0;
	_ =	strace $0x90000047  }
0x5a: {  	s0 =	sadd.s32 @!p0 $0x100000, s0;
	[bflag:$0x2] =	sbarrier.arrive $0xFFFF  }
0x5b: {  	[sflag:s0] =	ssyncadd.tile.s32 @!p0 $0x1;
	_ =	shalt  }
.Lfunc_end1:
_tile_overlayer_lowered:
.L_overlay_start_2:
0x5c: {  	(tag) =	ssettag $0x2  }
0x5d: {  	s0 =	rddreg [dreg:$0x0];
	s2 =	stileid.u32  }
0x5e: {  	s1 =	rddreg [dreg:$0x1];
	p0 =	sne.s32 s2, $0x0  }
0x5f: {  	s3 =	rddreg [dreg:$0x2];
	[bflag:$0x3] =	sbarrier.arrive $0xFFFF;
	s2 =	simm.s32 @!p0 $0x1C01  }
0x60: {  	[timem:s3], [sflag:s2] =	dma.local @!p0 [hbm:s0], s1  }
0x61: {  	s0 =	simm.s32 @!p0 $0x1  }
0x62: {  	_ =	swait.ge @!p0 [sflag:s0], s1  }
0x63: {  	s1 =	ssub.s32 @!p0 $0x0, s1;
	[sflag:s0] =	ssyncset.done @!p0 $0x0  }
0x64: {  	[sflag:s0] =	ssyncadd.s32 @!p0 s1  }
0x65: {  	[bflag:$0x3] =	sbarrier.arrive $0xFFFF  }
0x66: {  	_ =	shalt  }

</sc_bundles>
